<compile_context>
chip_gen: v7x
topology: tpu7x:2x2x1
jax: 0.10.2.dev20260603
libtpu: 0.0.44.dev20260713+nightly
codegen_flags: <defaults>
</compile_context>

<pallas_src>
import functools

import jax
import jax.numpy as jnp
from jax import lax
from jax.experimental import pallas as pl
from jax.experimental.pallas import tpu as pltpu
from jax.experimental.pallas import tpu_sc as plsc

N_ROWS = 100000
N_CLASSES = 128
CHUNK = 160
FLAT = CHUNK * N_CLASSES
N_CHUNKS = N_ROWS // CHUNK
GROUPS = CHUNK // 16
NBUF = 2

_info = plsc.get_sparse_core_info()
NC, NS = _info.num_cores, _info.num_subcores
NW = NC * NS
MAX_CHUNKS_PER_W = (N_CHUNKS + NW - 1) // NW
SUPER = MAX_CHUNKS_PER_W // NBUF


@functools.partial(
    pl.kernel,
    mesh=plsc.VectorSubcoreMesh(core_axis_name="c", subcore_axis_name="s"),
    out_type=jax.ShapeDtypeStruct((N_ROWS * N_CLASSES,), jnp.float32),
    scratch_types=[
        pltpu.VMEM((MAX_CHUNKS_PER_W * CHUNK,), jnp.int32),
        pltpu.VMEM((FLAT,), jnp.float32),
        pltpu.VMEM((FLAT,), jnp.float32),
        pltpu.SemaphoreType.DMA,
        pltpu.SemaphoreType.DMA,
        pltpu.SemaphoreType.DMA,
    ],
    compiler_params=pltpu.CompilerParams(needs_layout_passes=False),
)
def _one_hot_sc(idx_hbm, out_hbm, idx_v, b0, b1, sem_i, s0, s1):
    wid = lax.axis_index("s") * NC + lax.axis_index("c")
    sems = [s0, s1]
    bufs = [b0, b1]
    zeros = jnp.zeros((16,), jnp.float32)
    ones = jnp.ones((16,), jnp.float32)
    lane128 = lax.iota(jnp.int32, 16) * N_CLASSES

    def _idx_fetch(t, carry):
        cid = jnp.minimum(t * NW + wid, N_CHUNKS - 1)
        pltpu.async_copy(
            idx_hbm.at[pl.ds(cid * CHUNK, CHUNK)],
            idx_v.at[pl.ds(t * CHUNK, CHUNK)],
            sem_i,
        )
        return carry

    lax.fori_loop(0, MAX_CHUNKS_PER_W, _idx_fetch, 0)

    def _memset(buf):
        def _row(r, carry):
            for j in range(N_CLASSES // 16):
                buf[pl.ds(r * N_CLASSES + j * 16, 16)] = zeros
            return carry

        lax.fori_loop(0, CHUNK, _row, 0)

    def _idx_drain(t, carry):
        pltpu.make_async_copy(
            idx_hbm.at[pl.ds(0, CHUNK)], idx_v.at[pl.ds(0, CHUNK)], sem_i
        ).wait()
        return carry

    def _scatter(buf, t, val):
        def _g(g, carry):
            cols = idx_v[pl.ds(t * CHUNK + g * 16, 16)]
            plsc.store_scatter(buf, [lane128 + g * (16 * N_CLASSES) + cols], val)
            return carry

        lax.fori_loop(0, GROUPS, _g, 0)

    _memset(b0)
    lax.fori_loop(0, MAX_CHUNKS_PER_W, _idx_drain, 0)

    _scatter(b0, 0, ones)
    pltpu.async_copy(b0, out_hbm.at[pl.ds(wid * FLAT, FLAT)], s0)
    _memset(b1)
    _scatter(b1, 1, ones)
    pltpu.async_copy(b1, out_hbm.at[pl.ds((NW + wid) * FLAT, FLAT)], s1)

    def _super_body(s, carry):
        for b in range(NBUF):
            t = s * NBUF + b
            cid = t * NW + wid

            @pl.when(cid < N_CHUNKS)
            def _():
                pltpu.make_async_copy(
                    bufs[b], out_hbm.at[pl.ds(0, FLAT)], sems[b]
                ).wait()
                _scatter(bufs[b], t - NBUF, zeros)
                _scatter(bufs[b], t, ones)
                pltpu.async_copy(
                    bufs[b], out_hbm.at[pl.ds(cid * FLAT, FLAT)], sems[b]
                )

        return carry

    lax.fori_loop(1, SUPER, _super_body, 0)

    for b in range(NBUF):
        pltpu.make_async_copy(
            bufs[b], out_hbm.at[pl.ds(0, FLAT)], sems[b]
        ).wait()


def kernel(input):
    idx = jnp.reshape(input, (N_ROWS,))
    return jnp.reshape(_one_hot_sc(idx), (N_ROWS, N_CLASSES))

# --- scband reference (transcript-rebuilt; emitter-appended) ---
"""Pipeline reference for scband-one-hot-encoding-26766236189263 (READ-ONLY COPY).

The authoritative reference and input builder live on the scoring server;
editing this copy changes nothing except your own understanding.
"""

import jax, jax.numpy as jnp
import numpy as np

NUM_TYPES = 128
N_NODES = 100000


def setup_inputs(seed: int = 0) -> dict:
    key = jax.random.key(seed)
    inp = jax.random.randint(key, (N_NODES, 1), 0, NUM_TYPES, dtype=jnp.int32)
    return {"input": inp}


def reference(input) -> jnp.ndarray:
    # Faithful translation of OneHotEncoding.forward:
    #   type_numbers = input.squeeze(-1)
    #   one_hot = F.one_hot(type_numbers, num_classes=num_types).float()
    type_numbers = jnp.squeeze(input, axis=-1)
    one_hot = jax.nn.one_hot(type_numbers, NUM_TYPES, dtype=jnp.float32)
    return one_hot

if __name__ == "__main__":
    import jax
    _d = setup_inputs()
    print(jax.jit(kernel)(*tuple(_d.values())))

</pallas_src>

<mosaic_0001>
#map = affine_map<(d0, d1) -> (0)>
module attributes {stable_mosaic.version = 14 : i64} {
  func.func @_one_hot_sc(%arg0: i32, %arg1: i32, %arg2: memref<100000xi32, #tpu.memory_space<hbm>>, %arg3: memref<12800000xf32, #tpu.memory_space<hbm>>, %arg4: memref<3200xi32, #tpu.memory_space<vmem>>, %arg5: memref<20480xf32, #tpu.memory_space<vmem>>, %arg6: memref<20480xf32, #tpu.memory_space<vmem>>, %arg7: memref<!tpu.dma_semaphore, #tpu.memory_space<semaphore_mem>>, %arg8: memref<!tpu.dma_semaphore, #tpu.memory_space<semaphore_mem>>, %arg9: memref<!tpu.dma_semaphore, #tpu.memory_space<semaphore_mem>>) attributes {dimension_semantics = [#tpu.dimension_semantics<core_parallel>, #tpu.dimension_semantics<subcore_parallel>], iteration_bounds = array<i64: 2, 16>, scalar_prefetch = 0 : i64, scratch_operands = 6 : i64, tpu.core_type = #tpu.core_type<sc_vector_subcore>, window_params = [{transform_indices = #map}, {transform_indices = #map}]} {
    %mul3A = arith.constant 2 : i32
    %mul3A_0 = arith.muli %arg1, %mul3A : i32
    %add3A = arith.addi %mul3A_0, %arg0 : i32
    %broadcast_in_dim3A = arith.constant 0.000000e+00 : f32
    %broadcast_in_dim3A_1 = vector.broadcast %broadcast_in_dim3A : f32 to vector<16xf32>
    %broadcast_in_dim3A_2 = arith.constant 1.000000e+00 : f32
    %broadcast_in_dim3A_3 = vector.broadcast %broadcast_in_dim3A_2 : f32 to vector<16xf32>
    %iota3A = tpu.iota {dimensions = array<i32: 0>} : vector<16xi32>
    %mul3A_4 = arith.constant 128 : i32
    %mul3A_5 = vector.broadcast %mul3A_4 : i32 to vector<16xi32>
    %mul3A_6 = arith.muli %iota3A, %mul3A_5 : vector<16xi32>
    %scan3A = arith.constant 0 : i32
    %scan3A_7 = arith.constant 0 : i32
    %scan3A_8 = arith.constant 20 : i32
    %scan3A_9 = arith.addi %scan3A_7, %scan3A_8 : i32
    %scan3A_10 = arith.constant 1 : i32
    scf.for %scan3A_64 = %scan3A_7 to %scan3A_9 step %scan3A_10  : i32 {
      %mul3A_65 = arith.constant 32 : i32
      %mul3A_66 = arith.muli %scan3A_64, %mul3A_65 : i32
      %add3A_67 = arith.addi %mul3A_66, %add3A : i32
      %min3A = arith.constant 624 : i32
      %min3A_68 = arith.minsi %add3A_67, %min3A : i32
      %mul3A_69 = arith.constant 160 : i32
      %mul3A_70 = arith.muli %min3A_68, %mul3A_69 : i32
      %mul3A_71 = arith.constant 160 : i32
      %mul3A_72 = arith.muli %scan3A_64, %mul3A_71 : i32
      %dma_start3A_73 = tpu.memref_slice %arg4[%mul3A_72] : memref<3200xi32, #tpu.memory_space<vmem>> -> memref<160xi32, #tpu.memory_space<vmem>>
      %dma_start3A_74 = tpu.memref_slice %arg2[%mul3A_70] : memref<100000xi32, #tpu.memory_space<hbm>> -> memref<160xi32, #tpu.memory_space<hbm>>
      %dma_start3A_75 = tpu.memref_slice %arg4[%mul3A_72] : memref<3200xi32, #tpu.memory_space<vmem>> -> memref<160xi32, #tpu.memory_space<vmem>>
      %dma_start3A_76 = tpu.memref_slice %arg2[%mul3A_70] : memref<100000xi32, #tpu.memory_space<hbm>> -> memref<160xi32, #tpu.memory_space<hbm>>
      tpu.enqueue_dma source(%dma_start3A_76 : memref<160xi32, #tpu.memory_space<hbm>>) target(%dma_start3A_75 : memref<160xi32, #tpu.memory_space<vmem>>) target_semaphore(%arg7 : memref<!tpu.dma_semaphore, #tpu.memory_space<semaphore_mem>>)
    }
    %scan3A_11 = arith.constant 20 : i32
    %scan3A_12 = arith.constant 0 : i32
    %scan3A_13 = arith.constant 0 : i32
    %scan3A_14 = arith.constant 160 : i32
    %scan3A_15 = arith.addi %scan3A_13, %scan3A_14 : i32
    %scan3A_16 = arith.constant 1 : i32
    scf.for %scan3A_64 = %scan3A_13 to %scan3A_15 step %scan3A_16  : i32 {
      %mul3A_65 = arith.constant 128 : i32
      %mul3A_66 = arith.muli %scan3A_64, %mul3A_65 : i32
      %add3A_67 = arith.constant 0 : i32
      %add3A_68 = arith.addi %mul3A_66, %add3A_67 : i32
      %swap3A = arith.index_cast %add3A_68 : i32 to index
      %swap3A_69 = tpu.vector_load %arg5[%swap3A] {strides = array<i32>} : memref<20480xf32, #tpu.memory_space<vmem>>, vector<16xf32>,
      tpu.vector_store %arg5[%swap3A], %broadcast_in_dim3A_1 {strides = array<i32>} : memref<20480xf32, #tpu.memory_space<vmem>>, vector<16xf32>,
      %mul3A_70 = arith.constant 128 : i32
      %mul3A_71 = arith.muli %scan3A_64, %mul3A_70 : i32
      %add3A_72 = arith.constant 16 : i32
      %add3A_73 = arith.addi %mul3A_71, %add3A_72 : i32
      %swap3A_74 = arith.index_cast %add3A_73 : i32 to index
      %swap3A_75 = tpu.vector_load %arg5[%swap3A_74] {strides = array<i32>} : memref<20480xf32, #tpu.memory_space<vmem>>, vector<16xf32>,
      tpu.vector_store %arg5[%swap3A_74], %broadcast_in_dim3A_1 {strides = array<i32>} : memref<20480xf32, #tpu.memory_space<vmem>>, vector<16xf32>,
      %mul3A_76 = arith.constant 128 : i32
      %mul3A_77 = arith.muli %scan3A_64, %mul3A_76 : i32
      %add3A_78 = arith.constant 32 : i32
      %add3A_79 = arith.addi %mul3A_77, %add3A_78 : i32
      %swap3A_80 = arith.index_cast %add3A_79 : i32 to index
      %swap3A_81 = tpu.vector_load %arg5[%swap3A_80] {strides = array<i32>} : memref<20480xf32, #tpu.memory_space<vmem>>, vector<16xf32>,
      tpu.vector_store %arg5[%swap3A_80], %broadcast_in_dim3A_1 {strides = array<i32>} : memref<20480xf32, #tpu.memory_space<vmem>>, vector<16xf32>,
      %mul3A_82 = arith.constant 128 : i32
      %mul3A_83 = arith.muli %scan3A_64, %mul3A_82 : i32
      %add3A_84 = arith.constant 48 : i32
      %add3A_85 = arith.addi %mul3A_83, %add3A_84 : i32
      %swap3A_86 = arith.index_cast %add3A_85 : i32 to index
      %swap3A_87 = tpu.vector_load %arg5[%swap3A_86] {strides = array<i32>} : memref<20480xf32, #tpu.memory_space<vmem>>, vector<16xf32>,
      tpu.vector_store %arg5[%swap3A_86], %broadcast_in_dim3A_1 {strides = array<i32>} : memref<20480xf32, #tpu.memory_space<vmem>>, vector<16xf32>,
      %mul3A_88 = arith.constant 128 : i32
      %mul3A_89 = arith.muli %scan3A_64, %mul3A_88 : i32
      %add3A_90 = arith.constant 64 : i32
      %add3A_91 = arith.addi %mul3A_89, %add3A_90 : i32
      %swap3A_92 = arith.index_cast %add3A_91 : i32 to index
      %swap3A_93 = tpu.vector_load %arg5[%swap3A_92] {strides = array<i32>} : memref<20480xf32, #tpu.memory_space<vmem>>, vector<16xf32>,
      tpu.vector_store %arg5[%swap3A_92], %broadcast_in_dim3A_1 {strides = array<i32>} : memref<20480xf32, #tpu.memory_space<vmem>>, vector<16xf32>,
      %mul3A_94 = arith.constant 128 : i32
      %mul3A_95 = arith.muli %scan3A_64, %mul3A_94 : i32
      %add3A_96 = arith.constant 80 : i32
      %add3A_97 = arith.addi %mul3A_95, %add3A_96 : i32
      %swap3A_98 = arith.index_cast %add3A_97 : i32 to index
      %swap3A_99 = tpu.vector_load %arg5[%swap3A_98] {strides = array<i32>} : memref<20480xf32, #tpu.memory_space<vmem>>, vector<16xf32>,
      tpu.vector_store %arg5[%swap3A_98], %broadcast_in_dim3A_1 {strides = array<i32>} : memref<20480xf32, #tpu.memory_space<vmem>>, vector<16xf32>,
      %mul3A_100 = arith.constant 128 : i32
      %mul3A_101 = arith.muli %scan3A_64, %mul3A_100 : i32
      %add3A_102 = arith.constant 96 : i32
      %add3A_103 = arith.addi %mul3A_101, %add3A_102 : i32
      %swap3A_104 = arith.index_cast %add3A_103 : i32 to index
      %swap3A_105 = tpu.vector_load %arg5[%swap3A_104] {strides = array<i32>} : memref<20480xf32, #tpu.memory_space<vmem>>, vector<16xf32>,
      tpu.vector_store %arg5[%swap3A_104], %broadcast_in_dim3A_1 {strides = array<i32>} : memref<20480xf32, #tpu.memory_space<vmem>>, vector<16xf32>,
      %mul3A_106 = arith.constant 128 : i32
      %mul3A_107 = arith.muli %scan3A_64, %mul3A_106 : i32
      %add3A_108 = arith.constant 112 : i32
      %add3A_109 = arith.addi %mul3A_107, %add3A_108 : i32
      %swap3A_110 = arith.index_cast %add3A_109 : i32 to index
      %swap3A_111 = tpu.vector_load %arg5[%swap3A_110] {strides = array<i32>} : memref<20480xf32, #tpu.memory_space<vmem>>, vector<16xf32>,
      tpu.vector_store %arg5[%swap3A_110], %broadcast_in_dim3A_1 {strides = array<i32>} : memref<20480xf32, #tpu.memory_space<vmem>>, vector<16xf32>,
    }
    %scan3A_17 = arith.constant 160 : i32
    %scan3A_18 = arith.constant 0 : i32
    %scan3A_19 = arith.constant 0 : i32
    %scan3A_20 = arith.constant 20 : i32
    %scan3A_21 = arith.addi %scan3A_19, %scan3A_20 : i32
    %scan3A_22 = arith.constant 1 : i32
    scf.for %scan3A_64 = %scan3A_19 to %scan3A_21 step %scan3A_22  : i32 {
      %dma_wait3A_65 = arith.constant 0 : i32
      %dma_wait3A_66 = tpu.memref_slice %arg4[%dma_wait3A_65] : memref<3200xi32, #tpu.memory_space<vmem>> -> memref<160xi32, #tpu.memory_space<vmem>>
      %dma_wait3A_67 = arith.constant 0 : i32
      %dma_wait3A_68 = tpu.memref_slice %arg2[%dma_wait3A_67] : memref<100000xi32, #tpu.memory_space<hbm>> -> memref<160xi32, #tpu.memory_space<hbm>>
      %dma_wait3A_69 = arith.constant 0 : i32
      %dma_wait3A_70 = tpu.memref_slice %arg4[%dma_wait3A_69] : memref<3200xi32, #tpu.memory_space<vmem>> -> memref<160xi32, #tpu.memory_space<vmem>>
      %dma_wait3A_71 = arith.constant 0 : i32
      %dma_wait3A_72 = tpu.memref_slice %arg2[%dma_wait3A_71] : memref<100000xi32, #tpu.memory_space<hbm>> -> memref<160xi32, #tpu.memory_space<hbm>>
      tpu.wait_dma2 semaphore(%arg7 : memref<!tpu.dma_semaphore, #tpu.memory_space<semaphore_mem>>) src(%dma_wait3A_72 : memref<160xi32, #tpu.memory_space<hbm>>) dst(%dma_wait3A_70 : memref<160xi32, #tpu.memory_space<vmem>>)
    }
    %scan3A_23 = arith.constant 20 : i32
    %scan3A_24 = arith.constant 0 : i32
    %scan3A_25 = arith.constant 0 : i32
    %scan3A_26 = arith.constant 10 : i32
    %scan3A_27 = arith.addi %scan3A_25, %scan3A_26 : i32
    %scan3A_28 = arith.constant 1 : i32
    scf.for %scan3A_64 = %scan3A_25 to %scan3A_27 step %scan3A_28  : i32 {
      %mul3A_65 = arith.constant 16 : i32
      %mul3A_66 = arith.muli %scan3A_64, %mul3A_65 : i32
      %add3A_67 = arith.constant 0 : i32
      %add3A_68 = arith.addi %add3A_67, %mul3A_66 : i32
      %get3A = arith.index_cast %add3A_68 : i32 to index
      %get3A_69 = tpu.vector_load %arg4[%get3A] {strides = array<i32>} : memref<3200xi32, #tpu.memory_space<vmem>>, vector<16xi32>,
      %mul3A_70 = arith.constant 2048 : i32
      %mul3A_71 = arith.muli %scan3A_64, %mul3A_70 : i32
      %add3A_72 = vector.broadcast %mul3A_71 : i32 to vector<16xi32>
      %add3A_73 = arith.addi %mul3A_6, %add3A_72 : vector<16xi32>
      %add3A_74 = arith.addi %add3A_73, %get3A_69 : vector<16xi32>
      tpu.vector_store_idx %arg5[%add3A_74], %broadcast_in_dim3A_3 : memref<20480xf32, #tpu.memory_space<vmem>>[vector<16xi32>], vector<16xf32>,
    }
    %scan3A_29 = arith.constant 10 : i32
    %mul3A_30 = arith.constant 20480 : i32
    %mul3A_31 = arith.muli %add3A, %mul3A_30 : i32
    %dma_start3A = tpu.memref_slice %arg3[%mul3A_31] : memref<12800000xf32, #tpu.memory_space<hbm>> -> memref<20480xf32, #tpu.memory_space<hbm>>
    %dma_start3A_32 = tpu.memref_slice %arg3[%mul3A_31] : memref<12800000xf32, #tpu.memory_space<hbm>> -> memref<20480xf32, #tpu.memory_space<hbm>>
    tpu.enqueue_dma source(%arg5 : memref<20480xf32, #tpu.memory_space<vmem>>) target(%dma_start3A_32 : memref<20480xf32, #tpu.memory_space<hbm>>) target_semaphore(%arg8 : memref<!tpu.dma_semaphore, #tpu.memory_space<semaphore_mem>>)
    %scan3A_33 = arith.constant 0 : i32
    %scan3A_34 = arith.constant 0 : i32
    %scan3A_35 = arith.constant 160 : i32
    %scan3A_36 = arith.addi %scan3A_34, %scan3A_35 : i32
    %scan3A_37 = arith.constant 1 : i32
    scf.for %scan3A_64 = %scan3A_34 to %scan3A_36 step %scan3A_37  : i32 {
      %mul3A_65 = arith.constant 128 : i32
      %mul3A_66 = arith.muli %scan3A_64, %mul3A_65 : i32
      %add3A_67 = arith.constant 0 : i32
      %add3A_68 = arith.addi %mul3A_66, %add3A_67 : i32
      %swap3A = arith.index_cast %add3A_68 : i32 to index
      %swap3A_69 = tpu.vector_load %arg6[%swap3A] {strides = array<i32>} : memref<20480xf32, #tpu.memory_space<vmem>>, vector<16xf32>,
      tpu.vector_store %arg6[%swap3A], %broadcast_in_dim3A_1 {strides = array<i32>} : memref<20480xf32, #tpu.memory_space<vmem>>, vector<16xf32>,
      %mul3A_70 = arith.constant 128 : i32
      %mul3A_71 = arith.muli %scan3A_64, %mul3A_70 : i32
      %add3A_72 = arith.constant 16 : i32
      %add3A_73 = arith.addi %mul3A_71, %add3A_72 : i32
      %swap3A_74 = arith.index_cast %add3A_73 : i32 to index
      %swap3A_75 = tpu.vector_load %arg6[%swap3A_74] {strides = array<i32>} : memref<20480xf32, #tpu.memory_space<vmem>>, vector<16xf32>,
      tpu.vector_store %arg6[%swap3A_74], %broadcast_in_dim3A_1 {strides = array<i32>} : memref<20480xf32, #tpu.memory_space<vmem>>, vector<16xf32>,
      %mul3A_76 = arith.constant 128 : i32
      %mul3A_77 = arith.muli %scan3A_64, %mul3A_76 : i32
      %add3A_78 = arith.constant 32 : i32
      %add3A_79 = arith.addi %mul3A_77, %add3A_78 : i32
      %swap3A_80 = arith.index_cast %add3A_79 : i32 to index
      %swap3A_81 = tpu.vector_load %arg6[%swap3A_80] {strides = array<i32>} : memref<20480xf32, #tpu.memory_space<vmem>>, vector<16xf32>,
      tpu.vector_store %arg6[%swap3A_80], %broadcast_in_dim3A_1 {strides = array<i32>} : memref<20480xf32, #tpu.memory_space<vmem>>, vector<16xf32>,
      %mul3A_82 = arith.constant 128 : i32
      %mul3A_83 = arith.muli %scan3A_64, %mul3A_82 : i32
      %add3A_84 = arith.constant 48 : i32
      %add3A_85 = arith.addi %mul3A_83, %add3A_84 : i32
      %swap3A_86 = arith.index_cast %add3A_85 : i32 to index
      %swap3A_87 = tpu.vector_load %arg6[%swap3A_86] {strides = array<i32>} : memref<20480xf32, #tpu.memory_space<vmem>>, vector<16xf32>,
      tpu.vector_store %arg6[%swap3A_86], %broadcast_in_dim3A_1 {strides = array<i32>} : memref<20480xf32, #tpu.memory_space<vmem>>, vector<16xf32>,
      %mul3A_88 = arith.constant 128 : i32
      %mul3A_89 = arith.muli %scan3A_64, %mul3A_88 : i32
      %add3A_90 = arith.constant 64 : i32
      %add3A_91 = arith.addi %mul3A_89, %add3A_90 : i32
      %swap3A_92 = arith.index_cast %add3A_91 : i32 to index
      %swap3A_93 = tpu.vector_load %arg6[%swap3A_92] {strides = array<i32>} : memref<20480xf32, #tpu.memory_space<vmem>>, vector<16xf32>,
      tpu.vector_store %arg6[%swap3A_92], %broadcast_in_dim3A_1 {strides = array<i32>} : memref<20480xf32, #tpu.memory_space<vmem>>, vector<16xf32>,
      %mul3A_94 = arith.constant 128 : i32
      %mul3A_95 = arith.muli %scan3A_64, %mul3A_94 : i32
      %add3A_96 = arith.constant 80 : i32
      %add3A_97 = arith.addi %mul3A_95, %add3A_96 : i32
      %swap3A_98 = arith.index_cast %add3A_97 : i32 to index
      %swap3A_99 = tpu.vector_load %arg6[%swap3A_98] {strides = array<i32>} : memref<20480xf32, #tpu.memory_space<vmem>>, vector<16xf32>,
      tpu.vector_store %arg6[%swap3A_98], %broadcast_in_dim3A_1 {strides = array<i32>} : memref<20480xf32, #tpu.memory_space<vmem>>, vector<16xf32>,
      %mul3A_100 = arith.constant 128 : i32
      %mul3A_101 = arith.muli %scan3A_64, %mul3A_100 : i32
      %add3A_102 = arith.constant 96 : i32
      %add3A_103 = arith.addi %mul3A_101, %add3A_102 : i32
      %swap3A_104 = arith.index_cast %add3A_103 : i32 to index
      %swap3A_105 = tpu.vector_load %arg6[%swap3A_104] {strides = array<i32>} : memref<20480xf32, #tpu.memory_space<vmem>>, vector<16xf32>,
      tpu.vector_store %arg6[%swap3A_104], %broadcast_in_dim3A_1 {strides = array<i32>} : memref<20480xf32, #tpu.memory_space<vmem>>, vector<16xf32>,
      %mul3A_106 = arith.constant 128 : i32
      %mul3A_107 = arith.muli %scan3A_64, %mul3A_106 : i32
      %add3A_108 = arith.constant 112 : i32
      %add3A_109 = arith.addi %mul3A_107, %add3A_108 : i32
      %swap3A_110 = arith.index_cast %add3A_109 : i32 to index
      %swap3A_111 = tpu.vector_load %arg6[%swap3A_110] {strides = array<i32>} : memref<20480xf32, #tpu.memory_space<vmem>>, vector<16xf32>,
      tpu.vector_store %arg6[%swap3A_110], %broadcast_in_dim3A_1 {strides = array<i32>} : memref<20480xf32, #tpu.memory_space<vmem>>, vector<16xf32>,
    }
    %scan3A_38 = arith.constant 160 : i32
    %scan3A_39 = arith.constant 0 : i32
    %scan3A_40 = arith.constant 0 : i32
    %scan3A_41 = arith.constant 10 : i32
    %scan3A_42 = arith.addi %scan3A_40, %scan3A_41 : i32
    %scan3A_43 = arith.constant 1 : i32
    scf.for %scan3A_64 = %scan3A_40 to %scan3A_42 step %scan3A_43  : i32 {
      %mul3A_65 = arith.constant 16 : i32
      %mul3A_66 = arith.muli %scan3A_64, %mul3A_65 : i32
      %add3A_67 = arith.constant 160 : i32
      %add3A_68 = arith.addi %add3A_67, %mul3A_66 : i32
      %get3A = arith.index_cast %add3A_68 : i32 to index
      %get3A_69 = tpu.vector_load %arg4[%get3A] {strides = array<i32>} : memref<3200xi32, #tpu.memory_space<vmem>>, vector<16xi32>,
      %mul3A_70 = arith.constant 2048 : i32
      %mul3A_71 = arith.muli %scan3A_64, %mul3A_70 : i32
      %add3A_72 = vector.broadcast %mul3A_71 : i32 to vector<16xi32>
      %add3A_73 = arith.addi %mul3A_6, %add3A_72 : vector<16xi32>
      %add3A_74 = arith.addi %add3A_73, %get3A_69 : vector<16xi32>
      tpu.vector_store_idx %arg6[%add3A_74], %broadcast_in_dim3A_3 : memref<20480xf32, #tpu.memory_space<vmem>>[vector<16xi32>], vector<16xf32>,
    }
    %scan3A_44 = arith.constant 10 : i32
    %add3A_45 = arith.constant 32 : i32
    %add3A_46 = arith.addi %add3A_45, %add3A : i32
    %mul3A_47 = arith.constant 20480 : i32
    %mul3A_48 = arith.muli %add3A_46, %mul3A_47 : i32
    %dma_start3A_49 = tpu.memref_slice %arg3[%mul3A_48] : memref<12800000xf32, #tpu.memory_space<hbm>> -> memref<20480xf32, #tpu.memory_space<hbm>>
    %dma_start3A_50 = tpu.memref_slice %arg3[%mul3A_48] : memref<12800000xf32, #tpu.memory_space<hbm>> -> memref<20480xf32, #tpu.memory_space<hbm>>
    tpu.enqueue_dma source(%arg6 : memref<20480xf32, #tpu.memory_space<vmem>>) target(%dma_start3A_50 : memref<20480xf32, #tpu.memory_space<hbm>>) target_semaphore(%arg9 : memref<!tpu.dma_semaphore, #tpu.memory_space<semaphore_mem>>)
    %scan3A_51 = arith.constant 0 : i32
    %scan3A_52 = arith.constant 1 : i32
    %scan3A_53 = arith.constant 9 : i32
    %scan3A_54 = arith.addi %scan3A_52, %scan3A_53 : i32
    %scan3A_55 = arith.constant 1 : i32
    scf.for %scan3A_64 = %scan3A_52 to %scan3A_54 step %scan3A_55  : i32 {
      %mul3A_65 = arith.constant 2 : i32
      %mul3A_66 = arith.muli %scan3A_64, %mul3A_65 : i32
      %add3A_67 = arith.constant 0 : i32
      %add3A_68 = arith.addi %mul3A_66, %add3A_67 : i32
      %mul3A_69 = arith.constant 32 : i32
      %mul3A_70 = arith.muli %add3A_68, %mul3A_69 : i32
      %add3A_71 = arith.addi %mul3A_70, %add3A : i32
      %lt3A = arith.constant 625 : i32
      %lt3A_72 = arith.cmpi slt, %add3A_71, %lt3A : i32
      %convert_element_type3A = arith.extui %lt3A_72 : i1 to i32
      %cond3A = arith.constant 0 : i32
      %cond3A_73 = arith.cmpi ne, %convert_element_type3A, %cond3A : i32
      scf.if %cond3A_73 {
        %dma_wait3A_86 = arith.constant 0 : i32
        %dma_wait3A_87 = tpu.memref_slice %arg3[%dma_wait3A_86] : memref<12800000xf32, #tpu.memory_space<hbm>> -> memref<20480xf32, #tpu.memory_space<hbm>>
        %dma_wait3A_88 = arith.constant 0 : i32
        %dma_wait3A_89 = tpu.memref_slice %arg3[%dma_wait3A_88] : memref<12800000xf32, #tpu.memory_space<hbm>> -> memref<20480xf32, #tpu.memory_space<hbm>>
        tpu.wait_dma2 semaphore(%arg8 : memref<!tpu.dma_semaphore, #tpu.memory_space<semaphore_mem>>) src(%arg5 : memref<20480xf32, #tpu.memory_space<vmem>>) dst(%dma_wait3A_89 : memref<20480xf32, #tpu.memory_space<hbm>>)
        %sub3A = arith.constant 2 : i32
        %sub3A_90 = arith.subi %add3A_68, %sub3A : i32
        %scan3A_91 = arith.constant 0 : i32
        %scan3A_92 = arith.constant 0 : i32
        %scan3A_93 = arith.constant 10 : i32
        %scan3A_94 = arith.addi %scan3A_92, %scan3A_93 : i32
        %scan3A_95 = arith.constant 1 : i32
        scf.for %scan3A_107 = %scan3A_92 to %scan3A_94 step %scan3A_95  : i32 {
          %mul3A_108 = arith.constant 160 : i32
          %mul3A_109 = arith.muli %sub3A_90, %mul3A_108 : i32
          %mul3A_110 = arith.constant 16 : i32
          %mul3A_111 = arith.muli %scan3A_107, %mul3A_110 : i32
          %add3A_112 = arith.addi %mul3A_109, %mul3A_111 : i32
          %get3A = arith.index_cast %add3A_112 : i32 to index
          %get3A_113 = tpu.vector_load %arg4[%get3A] {strides = array<i32>} : memref<3200xi32, #tpu.memory_space<vmem>>, vector<16xi32>,
          %mul3A_114 = arith.constant 2048 : i32
          %mul3A_115 = arith.muli %scan3A_107, %mul3A_114 : i32
          %add3A_116 = vector.broadcast %mul3A_115 : i32 to vector<16xi32>
          %add3A_117 = arith.addi %mul3A_6, %add3A_116 : vector<16xi32>
          %add3A_118 = arith.addi %add3A_117, %get3A_113 : vector<16xi32>
          tpu.vector_store_idx %arg5[%add3A_118], %broadcast_in_dim3A_1 : memref<20480xf32, #tpu.memory_space<vmem>>[vector<16xi32>], vector<16xf32>,
        }
        %scan3A_96 = arith.constant 10 : i32
        %scan3A_97 = arith.constant 0 : i32
        %scan3A_98 = arith.constant 0 : i32
        %scan3A_99 = arith.constant 10 : i32
        %scan3A_100 = arith.addi %scan3A_98, %scan3A_99 : i32
        %scan3A_101 = arith.constant 1 : i32
        scf.for %scan3A_107 = %scan3A_98 to %scan3A_100 step %scan3A_101  : i32 {
          %mul3A_108 = arith.constant 160 : i32
          %mul3A_109 = arith.muli %add3A_68, %mul3A_108 : i32
          %mul3A_110 = arith.constant 16 : i32
          %mul3A_111 = arith.muli %scan3A_107, %mul3A_110 : i32
          %add3A_112 = arith.addi %mul3A_109, %mul3A_111 : i32
          %get3A = arith.index_cast %add3A_112 : i32 to index
          %get3A_113 = tpu.vector_load %arg4[%get3A] {strides = array<i32>} : memref<3200xi32, #tpu.memory_space<vmem>>, vector<16xi32>,
          %mul3A_114 = arith.constant 2048 : i32
          %mul3A_115 = arith.muli %scan3A_107, %mul3A_114 : i32
          %add3A_116 = vector.broadcast %mul3A_115 : i32 to vector<16xi32>
          %add3A_117 = arith.addi %mul3A_6, %add3A_116 : vector<16xi32>
          %add3A_118 = arith.addi %add3A_117, %get3A_113 : vector<16xi32>
          tpu.vector_store_idx %arg5[%add3A_118], %broadcast_in_dim3A_3 : memref<20480xf32, #tpu.memory_space<vmem>>[vector<16xi32>], vector<16xf32>,
        }
        %scan3A_102 = arith.constant 10 : i32
        %mul3A_103 = arith.constant 20480 : i32
        %mul3A_104 = arith.muli %add3A_71, %mul3A_103 : i32
        %dma_start3A_105 = tpu.memref_slice %arg3[%mul3A_104] : memref<12800000xf32, #tpu.memory_space<hbm>> -> memref<20480xf32, #tpu.memory_space<hbm>>
        %dma_start3A_106 = tpu.memref_slice %arg3[%mul3A_104] : memref<12800000xf32, #tpu.memory_space<hbm>> -> memref<20480xf32, #tpu.memory_space<hbm>>
        tpu.enqueue_dma source(%arg5 : memref<20480xf32, #tpu.memory_space<vmem>>) target(%dma_start3A_106 : memref<20480xf32, #tpu.memory_space<hbm>>) target_semaphore(%arg8 : memref<!tpu.dma_semaphore, #tpu.memory_space<semaphore_mem>>)
      } else {
      }
      %mul3A_74 = arith.constant 2 : i32
      %mul3A_75 = arith.muli %scan3A_64, %mul3A_74 : i32
      %add3A_76 = arith.constant 1 : i32
      %add3A_77 = arith.addi %mul3A_75, %add3A_76 : i32
      %mul3A_78 = arith.constant 32 : i32
      %mul3A_79 = arith.muli %add3A_77, %mul3A_78 : i32
      %add3A_80 = arith.addi %mul3A_79, %add3A : i32
      %lt3A_81 = arith.constant 625 : i32
      %lt3A_82 = arith.cmpi slt, %add3A_80, %lt3A_81 : i32
      %convert_element_type3A_83 = arith.extui %lt3A_82 : i1 to i32
      %cond3A_84 = arith.constant 0 : i32
      %cond3A_85 = arith.cmpi ne, %convert_element_type3A_83, %cond3A_84 : i32
      scf.if %cond3A_85 {
        %dma_wait3A_86 = arith.constant 0 : i32
        %dma_wait3A_87 = tpu.memref_slice %arg3[%dma_wait3A_86] : memref<12800000xf32, #tpu.memory_space<hbm>> -> memref<20480xf32, #tpu.memory_space<hbm>>
        %dma_wait3A_88 = arith.constant 0 : i32
        %dma_wait3A_89 = tpu.memref_slice %arg3[%dma_wait3A_88] : memref<12800000xf32, #tpu.memory_space<hbm>> -> memref<20480xf32, #tpu.memory_space<hbm>>
        tpu.wait_dma2 semaphore(%arg9 : memref<!tpu.dma_semaphore, #tpu.memory_space<semaphore_mem>>) src(%arg6 : memref<20480xf32, #tpu.memory_space<vmem>>) dst(%dma_wait3A_89 : memref<20480xf32, #tpu.memory_space<hbm>>)
        %sub3A = arith.constant 2 : i32
        %sub3A_90 = arith.subi %add3A_77, %sub3A : i32
        %scan3A_91 = arith.constant 0 : i32
        %scan3A_92 = arith.constant 0 : i32
        %scan3A_93 = arith.constant 10 : i32
        %scan3A_94 = arith.addi %scan3A_92, %scan3A_93 : i32
        %scan3A_95 = arith.constant 1 : i32
        scf.for %scan3A_107 = %scan3A_92 to %scan3A_94 step %scan3A_95  : i32 {
          %mul3A_108 = arith.constant 160 : i32
          %mul3A_109 = arith.muli %sub3A_90, %mul3A_108 : i32
          %mul3A_110 = arith.constant 16 : i32
          %mul3A_111 = arith.muli %scan3A_107, %mul3A_110 : i32
          %add3A_112 = arith.addi %mul3A_109, %mul3A_111 : i32
          %get3A = arith.index_cast %add3A_112 : i32 to index
          %get3A_113 = tpu.vector_load %arg4[%get3A] {strides = array<i32>} : memref<3200xi32, #tpu.memory_space<vmem>>, vector<16xi32>,
          %mul3A_114 = arith.constant 2048 : i32
          %mul3A_115 = arith.muli %scan3A_107, %mul3A_114 : i32
          %add3A_116 = vector.broadcast %mul3A_115 : i32 to vector<16xi32>
          %add3A_117 = arith.addi %mul3A_6, %add3A_116 : vector<16xi32>
          %add3A_118 = arith.addi %add3A_117, %get3A_113 : vector<16xi32>
          tpu.vector_store_idx %arg6[%add3A_118], %broadcast_in_dim3A_1 : memref<20480xf32, #tpu.memory_space<vmem>>[vector<16xi32>], vector<16xf32>,
        }
        %scan3A_96 = arith.constant 10 : i32
        %scan3A_97 = arith.constant 0 : i32
        %scan3A_98 = arith.constant 0 : i32
        %scan3A_99 = arith.constant 10 : i32
        %scan3A_100 = arith.addi %scan3A_98, %scan3A_99 : i32
        %scan3A_101 = arith.constant 1 : i32
        scf.for %scan3A_107 = %scan3A_98 to %scan3A_100 step %scan3A_101  : i32 {
          %mul3A_108 = arith.constant 160 : i32
          %mul3A_109 = arith.muli %add3A_77, %mul3A_108 : i32
          %mul3A_110 = arith.constant 16 : i32
          %mul3A_111 = arith.muli %scan3A_107, %mul3A_110 : i32
          %add3A_112 = arith.addi %mul3A_109, %mul3A_111 : i32
          %get3A = arith.index_cast %add3A_112 : i32 to index
          %get3A_113 = tpu.vector_load %arg4[%get3A] {strides = array<i32>} : memref<3200xi32, #tpu.memory_space<vmem>>, vector<16xi32>,
          %mul3A_114 = arith.constant 2048 : i32
          %mul3A_115 = arith.muli %scan3A_107, %mul3A_114 : i32
          %add3A_116 = vector.broadcast %mul3A_115 : i32 to vector<16xi32>
          %add3A_117 = arith.addi %mul3A_6, %add3A_116 : vector<16xi32>
          %add3A_118 = arith.addi %add3A_117, %get3A_113 : vector<16xi32>
          tpu.vector_store_idx %arg6[%add3A_118], %broadcast_in_dim3A_3 : memref<20480xf32, #tpu.memory_space<vmem>>[vector<16xi32>], vector<16xf32>,
        }
        %scan3A_102 = arith.constant 10 : i32
        %mul3A_103 = arith.constant 20480 : i32
        %mul3A_104 = arith.muli %add3A_80, %mul3A_103 : i32
        %dma_start3A_105 = tpu.memref_slice %arg3[%mul3A_104] : memref<12800000xf32, #tpu.memory_space<hbm>> -> memref<20480xf32, #tpu.memory_space<hbm>>
        %dma_start3A_106 = tpu.memref_slice %arg3[%mul3A_104] : memref<12800000xf32, #tpu.memory_space<hbm>> -> memref<20480xf32, #tpu.memory_space<hbm>>
        tpu.enqueue_dma source(%arg6 : memref<20480xf32, #tpu.memory_space<vmem>>) target(%dma_start3A_106 : memref<20480xf32, #tpu.memory_space<hbm>>) target_semaphore(%arg9 : memref<!tpu.dma_semaphore, #tpu.memory_space<semaphore_mem>>)
      } else {
      }
    }
    %scan3A_56 = arith.constant 9 : i32
    %dma_wait3A = arith.constant 0 : i32
    %dma_wait3A_57 = tpu.memref_slice %arg3[%dma_wait3A] : memref<12800000xf32, #tpu.memory_space<hbm>> -> memref<20480xf32, #tpu.memory_space<hbm>>
    %dma_wait3A_58 = arith.constant 0 : i32
    %dma_wait3A_59 = tpu.memref_slice %arg3[%dma_wait3A_58] : memref<12800000xf32, #tpu.memory_space<hbm>> -> memref<20480xf32, #tpu.memory_space<hbm>>
    tpu.wait_dma2 semaphore(%arg8 : memref<!tpu.dma_semaphore, #tpu.memory_space<semaphore_mem>>) src(%arg5 : memref<20480xf32, #tpu.memory_space<vmem>>) dst(%dma_wait3A_59 : memref<20480xf32, #tpu.memory_space<hbm>>)
    %dma_wait3A_60 = arith.constant 0 : i32
    %dma_wait3A_61 = tpu.memref_slice %arg3[%dma_wait3A_60] : memref<12800000xf32, #tpu.memory_space<hbm>> -> memref<20480xf32, #tpu.memory_space<hbm>>
    %dma_wait3A_62 = arith.constant 0 : i32
    %dma_wait3A_63 = tpu.memref_slice %arg3[%dma_wait3A_62] : memref<12800000xf32, #tpu.memory_space<hbm>> -> memref<20480xf32, #tpu.memory_space<hbm>>
    tpu.wait_dma2 semaphore(%arg9 : memref<!tpu.dma_semaphore, #tpu.memory_space<semaphore_mem>>) src(%arg6 : memref<20480xf32, #tpu.memory_space<vmem>>) dst(%dma_wait3A_63 : memref<20480xf32, #tpu.memory_space<hbm>>)
    return
  }
}

</mosaic_0001>

<sc_bundles>
// kernel: kernel.3.cloned.1.call-start
scs
__scs_entry_jumppad:
0x0: {  	(pc) =	sbr.rel $0x88, $3  }
0x1: {  	(tag) =	ssettag $0x0;
	lr =	simm.s32 $0x1  }
0x2: {  	[smem:$0x3FA0] =	sst lr;
	_ =	strace $0xD0000000  }
0x3: {  	_ = 	snop  }
0x4: {  	_ = 	snop  }
0x5: {  	_ = 	snop  }
0x6: {  	_ = 	snop  }
0x7: {  	_ = 	snop  }
__scs_overlays_trampoline_lowered:
0x8: {  	[smem:$0x3FAF] =	sst s0  }
0x9: {  	[smem:$0x3FB0] =	sst s1  }
0xa: {  	[smem:$0x3FB1] =	sst s2  }
0xb: {  	[smem:$0x3FB2] =	sst s3  }
0xc: {  	[smem:$0x3FB3] =	sst s4  }
0xd: {  	[smem:$0x3FB4] =	sst s5  }
0xe: {  	[smem:$0x3FB5] =	sst s6  }
0xf: {  	[smem:$0x3FB6] =	sst s7  }
0x10: {  	[smem:$0x3FB7] =	sst s8  }
0x11: {  	[smem:$0x3FB8] =	sst s9;
	s0 =	simm.s32 @!p0 $0x0  }
0x12: {  	s1 =	sld [smem:$0x3F9E];
	s0 =	simm.s32 @p0 $0x1  }
0x13: {  	[smem:$0x3FB9] =	sst s0;
	s0 =	simm.s32 @!p1 $0x0  }
0x14: {  	s2 =	sld [smem:$0x3F9D];
	s0 =	simm.s32 @p1 $0x1  }
0x15: {  	[smem:$0x3FBA] =	sst s0;
	s0 =	simm.s32 @!p2 $0x0  }
0x16: {  	s3 =	sld [smem:$0x3FDB];
	s0 =	simm.s32 @p2 $0x1  }
0x17: {  	s4 =	simm.s32 $0x1BF5;
	[smem:$0x3FBC] =	sst s0  }
0x18: {  	s0 =	sld [smem:$0x3F9F];
	_ =	swait.ge [sflag:s4], $0x0  }
0x19: {  	s7 =	sld [smem:$0x3FA0]  }
0x1a: {  	s8 =	sadd.s32 $0xFFFFE003, lr  }
0x1b: {  	s9 =	sadd.s32 $0xFFFFFEF7, lr;
	s5 =	simm.s32 $0xFFFFFFFF;
	p2 =	slt.u32 s8, $0xFFFFF086  }
0x1c: {  	p1 =	slt.u32 s9, $0xF7A;
	s5 =	simm.s32 @!p2 $0x0  }
0x1d: {  	s5 =	simm.s32 @p1 $0x1;
	p0 =	seq.s32 s7, s2  }
0x1e: {  	s7 =	smul.u32 @!p0 $0xF7A, s2;
	p2 =	seq.s32 @!p0 s5, $0x0  }
0x1f: {  	s9 =	smul.u32 $0xF7A, s1;
	s8 =	simm.s32 @!p0 $0x1BF5;
	p2 =	por !p2, p0  }
0x20: {  	[sflag:s8] =	ssyncset.s32 @!p0 $0xFFFFF086;
	s6 =	sadd.s32 @!p0 s3, s7;
	s7 =	simm.s32 @!p0 $0x108  }
0x21: {  	s3 =	sadd.s32 s3, s9;
	s6 =	sadd.s32 @!p0 $0x88, s6;
	s7 =	simm.s32 @p2 $0x1082  }
0x22: {  	[simem:s7], [sflag:s8] =	dma.local @!p0 [hbm:s6], $0xF7A  }
0x23: {  	s9 =	sor.u32 $0xD0000000, s2;
	s6 =	simm.s32 $0x108;
	_ =	swait.ge @!p0 [sflag:s8], $0x0  }
0x24: {  	s3 =	sadd.s32 $0x88, s3;
	s6 =	simm.s32 @!p1 $0x1082;
	[sflag:s4] =	ssyncset.s32 $0xFFFFF086  }
0x25: {  	[simem:s6], [sflag:s4] =	dma.local [hbm:s3], $0xF7A  }
0x26: {  	[smem:$0x3FA0] =	sst s1;
	(tag) =	ssettag s2;
	_ =	strace s9  }
0x27: {  	s1 =	sld [smem:$0x3FB0]  }
0x28: {  	s2 =	sld [smem:$0x3FB1]  }
0x29: {  	s4 =	sld [smem:$0x3FB3]  }
0x2a: {  	p0 =	seq.s32 s5, $0x0;
	s5 =	sld [smem:$0x3FB4]  }
0x2b: {  	s6 =	sld [smem:$0x3FB5]  }
0x2c: {  	s7 =	sld [smem:$0x3FB6]  }
0x2d: {  	s3 =	simm.s32 $0x108;
	s8 =	sld [smem:$0x3FB7]  }
0x2e: {  	s3 =	simm.s32 @!p0 $0x1082;
	s9 =	sld [smem:$0x3FB8]  }
0x2f: {  	lr =	sadd.s32 s0, s3;
	s0 =	sld [smem:$0x3FAF]  }
0x30: {  	s3 =	sld [smem:$0x3FB2]  }
0x31: {  	[smem:$0x3FBB] =	sst s10  }
0x32: {  	s10 =	sld [smem:$0x3FB9];
	_ =	sdelay $0x3  }
0x33: {  	p0 =	seq.s32 s10, $0x1;
	s10 =	sld [smem:$0x3FBB];
	_ =	sdelay $0x3  }
0x34: {  	[smem:$0x3FBB] =	sst s10  }
0x35: {  	s10 =	sld [smem:$0x3FBA];
	_ =	sdelay $0x3  }
0x36: {  	p1 =	seq.s32 s10, $0x1;
	s10 =	sld [smem:$0x3FBB];
	_ =	sdelay $0x3  }
0x37: {  	[smem:$0x3FBB] =	sst s10  }
0x38: {  	s10 =	sld [smem:$0x3FBC]  }
0x39: {  	_ = 	snop;
	(pc) =	sbr.ind lr, $3  }
0x3a: {  	_ = 	snop  }
0x3b: {  	_ = 	snop  }
0x3c: {  	p2 =	seq.s32 s10, $0x1;
	s10 =	sld [smem:$0x3FBB]  }
0x3d: {  	_ =	shalt  }
0x3e: {  	_ =	shalt  }
0x3f: {  	_ =	shalt  }
0x40: {  	_ =	shalt  }
0x41: {  	_ =	shalt  }
0x42: {  	_ =	shalt  }
0x43: {  	_ =	shalt  }
0x44: {  	_ =	shalt  }
0x45: {  	_ =	shalt  }
0x46: {  	_ =	shalt  }
0x47: {  	_ =	shalt  }
0x48: {  	_ =	shalt  }
0x49: {  	_ =	shalt  }
0x4a: {  	_ =	shalt  }
0x4b: {  	_ =	shalt  }
0x4c: {  	_ =	shalt  }
0x4d: {  	_ =	shalt  }
0x4e: {  	_ =	shalt  }
0x4f: {  	_ =	shalt  }
0x50: {  	_ =	shalt  }
0x51: {  	_ =	shalt  }
0x52: {  	_ =	shalt  }
0x53: {  	_ =	shalt  }
0x54: {  	_ =	shalt  }
0x55: {  	_ =	shalt  }
0x56: {  	_ =	shalt  }
0x57: {  	_ =	shalt  }
0x58: {  	_ =	shalt  }
0x59: {  	_ =	shalt  }
0x5a: {  	_ =	shalt  }
0x5b: {  	_ =	shalt  }
0x5c: {  	_ =	shalt  }
0x5d: {  	_ =	shalt  }
0x5e: {  	_ =	shalt  }
0x5f: {  	_ =	shalt  }
0x60: {  	_ =	shalt  }
0x61: {  	_ =	shalt  }
0x62: {  	_ =	shalt  }
0x63: {  	_ =	shalt  }
0x64: {  	_ =	shalt  }
0x65: {  	_ =	shalt  }
0x66: {  	_ =	shalt  }
0x67: {  	_ =	shalt  }
0x68: {  	_ =	shalt  }
0x69: {  	_ =	shalt  }
0x6a: {  	_ =	shalt  }
0x6b: {  	_ =	shalt  }
0x6c: {  	_ =	shalt  }
0x6d: {  	_ =	shalt  }
0x6e: {  	_ =	shalt  }
0x6f: {  	_ =	shalt  }
0x70: {  	_ =	shalt  }
0x71: {  	_ =	shalt  }
0x72: {  	_ =	shalt  }
0x73: {  	_ =	shalt  }
0x74: {  	_ =	shalt  }
0x75: {  	_ =	shalt  }
0x76: {  	_ =	shalt  }
0x77: {  	_ =	shalt  }
0x78: {  	_ =	shalt  }
0x79: {  	_ =	shalt  }
0x7a: {  	_ =	shalt  }
0x7b: {  	_ =	shalt  }
0x7c: {  	_ =	shalt  }
0x7d: {  	_ =	shalt  }
0x7e: {  	_ =	shalt  }
0x7f: {  	_ =	shalt  }
0x80: {  	_ =	shalt  }
0x81: {  	_ =	shalt  }
0x82: {  	_ =	shalt  }
0x83: {  	_ =	shalt  }
0x84: {  	_ =	shalt  }
0x85: {  	_ =	shalt  }
0x86: {  	_ =	shalt  }
0x87: {  	_ =	shalt  }
.Lfunc_end0:
.L_simem_size_0:
called_computation_lowered:
.L_overlay_start_0:
0x88: {  	s2 =	sld [smem:$0x3FD9]  }
0x89: {  	s3 =	sld [smem:$0x3FFE];
	_ =	sdelay $0x1  }
0x8a: {  	s1 =	srdreg.scid  }
0x8b: {  	s0 =	sand.u32 $0x1, s1  }
0x8c: {  	s17 =	sshll.u32 s0, $0xA;
	s2 =	sadd.s32 s3, s2  }
0x8d: {  	s2 =	sadd.s32 s2, s17  }
0x8e: {  	[smem:$0x3FC7] =	sst s2  }
0x8f: {  	_ = 	snop  }
0x90: {  	s2 =	sld [smem:$0x3FD0];
	(tm) =	ssettm $0x1  }
0x91: {  	s18 =	sld [smem:$0x3FFB];
	_ =	sdelay $0x3  }
0x92: {  	_ =	strace s18  }
0x93: {  	s3 =	sld [smem:$0x3FFC];
	_ =	sdelay $0x3  }
0x94: {  	_ =	strace s3  }
0x95: {  	s3 =	sld [smem:$0x3FFD];
	_ =	sdelay $0x3  }
0x96: {  	_ =	strace s3  }
0x97: {  	_ =	strace $0x8FFFFFFF  }
0x98: {  	s19 =	sld [smem:$0x3FDB];
	_ =	sdelay $0x1  }
0x99: {  	s4 =	simm.s32 $_scs_section_size  }
0x9a: {  	s5 =	simm.s32 $_size__tile_overlayer_lowered;
	s6 =	simm.s32 $_tile_overlayer_lowered  }
0x9b: {  	s22 =	simm.s32 $0x1BFF;
	s21 =	sshll.u32 s6, $0x1;
	s3 =	sadd.s32 s4, s19  }
0x9c: {  	s7 =	simm.s32 $0x0;
	s20 =	sshll.u32 s5, $0x1;
	s5 =	sadd.s32 s21, s3  }
0x9d: {  	[timem:s7], [sflag:s22] =	dma.local [hbm:s5], s20  }
0x9e: {  	_ =	swait.ge [sflag:s22], s20  }
0x9f: {  	s4 =	ssub.s32 $0x0, s20;
	[sflag:s22] =	ssyncset.done $0x0  }
0xa0: {  	[sflag:s22] =	ssyncadd.s32 s4;
	_ =	sdelay $0x1  }
0xa1: {  	s23 =	simm.s32 $0x1B8B  }
0xa2: {  	_ =	swait.ge [sflag:s23], $0x1  }
0xa3: {  	[sflag:s23] =	ssyncset.done $0x0  }
0xa4: {  	s25 =	simm.s32 $0x1B8E;
	s24 =	sld [smem:$0x3FFE];
	[sflag:s23] =	ssyncadd.s32 $0xFFFFFFFF  }
0xa5: {  	s26 =	simm.s32 $execute0_lowered;
	[smem:$0x3FD2] =	sst s25  }
0xa6: {  	s5 =	sshll.u32 s26, $0x1;
	_ =	strace $0x80000046;
	[dreg:$0x1] =	wrdreg $0xFFFFFFFF  }
0xa7: {  	s28 =	simm.s32 $_size_execute0_lowered;
	s3 =	sadd.s32 s3, s5;
	[dreg:$0x0] =	wrdreg $0x0  }
0xa8: {  	s5 =	sshll.u32 s28, $0x1;
	[dreg:$0x2] =	wrdreg s3  }
0xa9: {  	[dreg:$0x3] =	wrdreg s5  }
0xaa: {  	[dreg:$0x4] =	wrdreg $0xC0  }
0xab: {  	_ =	task [dreg:s7], $0x5FFFF  }
0xac: {  	[dreg:$0x1] =	wrdreg $0xFFFFFFFF  }
0xad: {  	[dreg:$0x0] =	wrdreg $0x60  }
0xae: {  	[dreg:$0x2] =	wrdreg s24  }
0xaf: {  	[dreg:$0x3] =	wrdreg s2  }
0xb0: {  	[dreg:$0x4] =	wrdreg $0x9  }
0xb1: {  	_ =	task.clear_ibuf [dreg:s7], $0x5FFFF;
	_ =	strace $0x90000046  }
0xb2: {  	s29 =	simm.s32 $0x9;
	_ =	strace $0x80000048  }
0xb3: {  	_ =	swait.ge [sflag:s29], $0x1  }
0xb4: {  	[sflag:s29] =	ssyncadd.s32 $0xFFFFFFFF  }
0xb5: {  	_ =	strace $0x90000048  }
0xb6: {  	_ =	sfence  }
0xb7: {  	s30 =	sld [smem:$0x0];
	_ =	sdelay $0x2  }
0xb8: {  	s31 =	sshll.u32 s1, $0xD;
	s1 =	sshrl.u32 s1, $0x2  }
0xb9: {  	s3 =	sand.u32 $0x4000, s31;
	s1 =	sadd.s32 s1, s30  }
0xba: {  	s0 =	sor.u32 s3, s0;
	s1 =	sshll.u32 s1, $0x11  }
0xbb: {  	s0 =	sor.u32 s1, s0  }
0xbc: {  	s0 =	sadd.s32 $0x8F2B, s0  }
0xbd: {  	[sflag:s0] =	ssyncadd.remote.s32 $0x1  }
0xbe: {  	_ =	sfence.sel $0xFFFF  }
0xbf: {  	[dreg:$0x0] =	wrdreg $0xFFFFFFFF;
	(pc) =	sbr.abs _section_cstart, $3  }
0xc0: {  	[dreg:$0x1] =	wrdreg $0xFFFFFFFF  }
0xc1: {  	_ =	task.clear_ibuf [dreg:s7], $0x2FFFF;
	_ =	strace $0x9FFFFFFF  }
0xc2: {  	(tm) =	ssettm $0x7FFFFFFF  }
0xc3: {  	_ =	shalt  }
tec
execute0_lowered:
.L_overlay_start_1:
0x0: {  	(tag) =	ssettag $0x1  }
0x1: {  	s1 =	srdreg.scid;
	s2 =	rddreg [dreg:$0x0]  }
0x2: {  	s0 =	stileid.u32;
	s3 =	rddreg [dreg:$0x1]  }
0x3: {  	s5 =	simm.s32 $0x0;
	s6 =	sand.u32 $0x1, s1;
	s31 =	sshll.u32 s0, $0x1  }
0x4: {  	s10 =	simm.s32 $0xC80;
	s11 =	simm.s32 $0x5C80;
	s4 =	sor.u32 s6, s31  }
0x5: {  	s12 =	simm.s32 $0x2;
	s13 =	simm.s32 $0x3;
	s7 =	smul.u32 $0x5000, s4  }
.Ltmp0:
0x6: {  	s14 =	simm.s32 $0x0;
	s1 =	rddreg [dreg:$0x2];
	(pc) =	sbr.rel .LBB2_1-.Ltmp0, $4  }
0x7: {  	[smem:$0x7FF] =	sst s5;
	s6 =	ssub.s32 $0x2, s6;
	s9 =	smul.u32 $0xA00, s4  }
0x8: {  	_ =	strace $0x80000047;
	s8 =	sshrl.u32 s6, $0x1;
	s7 =	sshrl.u32 s7, $0x3  }
0x9: {  	v1 =	vlaneseq.u32;
	s8 =	ssub.s32 s6, s8;
	s6 =	sadd.s32 s3, s9;
	s7 =	sadd.s32 s3, s7  }
0xa: {  	v0 =	vimm.f32 $0.0e+00;
	v2 =	vimm.f32 $1.000000000e+00;
	v1 =	vmul.u32 $0x80, v1;
	s8 =	smax.u32 s8, $0x1;
	s9 =	simm.s32 $0x1;
	s7 =	sadd.s32 $0x14000, s7  }
.LBB2_23:
0xb: {  	s14 =	sadd.s32 $0x1, s14  }
0xc: {  	_ =	swait.ge [sflag:s12], $0x5000;
	p0 =	sne.s32 s14, s8  }
.Ltmp1:
0xd: {  	[sflag:s12] =	ssyncset.done $0x0;
	(pc) =	sbr.rel @!p0 .LBB2_24-.Ltmp1, $4  }
0xe: {  	[sflag:s12] =	ssyncadd.s32 $0xFFFFB000  }
0xf: {  	_ =	swait.ge [sflag:s13], $0x5000  }
0x10: {  	[sflag:s13] =	ssyncset.done $0x0  }
0x11: {  	[sflag:s13] =	ssyncadd.s32 $0xFFFFB000  }
.LBB2_1:
0x12: {  	s15 =	sadd.s32 $0x0, s4  }
0x13: {  	p0 =	slt.s32 s15, $0x270  }
0x14: {  	s15 =	simm.s32 @!p0 $0x270  }
0x15: {  	s16 =	simm.s32 $0x20;
	s18 =	smul.u32 $0x14, s15;
	s15 =	simm.s32 $0x0  }
.LBB2_2:
0x16: {  	s19 =	sadd.s32 s16, s4  }
0x17: {  	s18 =	sadd.s32 s2, s18;
	s17 =	simm.s32 $0x0;
	p1 =	sne.s32 s16, $0x260  }
0x18: {  	[tilespmem:s15], [sflag:$0x1] =	stream.linear.gather [hbm4b:s18+s17], $0xA0, $0x38;
	[tilespmem:$0xAC80] =	vst v63  }
.Ltmp2:
0x19: {  	_ = 	snop;
	(pc) =	sbr.rel @p1 .LBB2_2-.Ltmp2, $4  }
0x1a: {  	s16 =	sadd.s32 $0x20, s16;
	p0 =	slt.s32 s19, $0x270  }
0x1b: {  	s19 =	simm.s32 @!p0 $0x270  }
0x1c: {  	s18 =	smul.u32 $0x14, s19  }
0x1d: {  	s15 =	sadd.s32 $0xA0, s15  }
0x1e: {  	s16 =	sadd.s32 s2, s18  }
0x1f: {  	[tilespmem:s15], [sflag:$0x1] =	stream.linear.gather [hbm4b:s16+s17], $0xA0, $0x38;
	[tilespmem:$0xAC80] =	vst v63  }
0x20: {  	s15 =	simm.s32 $0x0;
	s16 =	simm.s32 $0x200  }
.LBB2_4:
0x21: {  	p0 =	sne.s32 s16, $0x13E00;
	[tilespmem:s15+$0xCF0] =	vst v0  }
0x22: {  	[tilespmem:s15+$0xC80] =	vst v0  }
0x23: {  	[tilespmem:s15+$0xC90] =	vst v0  }
.Ltmp3:
0x24: {  	[tilespmem:s15+$0xCA0] =	vst v0;
	(pc) =	sbr.rel @p0 .LBB2_4-.Ltmp3, $4  }
0x25: {  	[tilespmem:s15+$0xCB0] =	vst v0  }
0x26: {  	[tilespmem:s15+$0xCC0] =	vst v0  }
0x27: {  	[tilespmem:s15+$0xCD0] =	vst v0  }
0x28: {  	[tilespmem:s15+$0xCE0] =	vst v0;
	s15 =	sshra.s32 s16, $0x2;
	s16 =	sadd.s32 $0x200, s16  }
0x29: {  	[tilespmem:s15+$0xCF0] =	vst v0  }
0x2a: {  	[tilespmem:s15+$0xC80] =	vst v0  }
0x2b: {  	[tilespmem:s15+$0xC90] =	vst v0  }
0x2c: {  	[tilespmem:s15+$0xCA0] =	vst v0  }
0x2d: {  	[tilespmem:s15+$0xCB0] =	vst v0  }
0x2e: {  	[tilespmem:s15+$0xCC0] =	vst v0  }
0x2f: {  	[tilespmem:s15+$0xCD0] =	vst v0  }
0x30: {  	[tilespmem:s15+$0xCE0] =	vst v0  }
0x31: {  	_ =	swait.ge [sflag:s9], $0xA0  }
0x32: {  	[sflag:s9] =	ssyncset.done $0x0  }
0x33: {  	[sflag:s9] =	ssyncadd.s32 $0xFFFFFF60  }
0x34: {  	_ =	swait.ge [sflag:s9], $0xA0  }
0x35: {  	[sflag:s9] =	ssyncset.done $0x0  }
0x36: {  	[sflag:s9] =	ssyncadd.s32 $0xFFFFFF60  }
0x37: {  	_ =	swait.ge [sflag:s9], $0xA0  }
0x38: {  	[sflag:s9] =	ssyncset.done $0x0  }
0x39: {  	[sflag:s9] =	ssyncadd.s32 $0xFFFFFF60  }
0x3a: {  	_ =	swait.ge [sflag:s9], $0xA0  }
0x3b: {  	[sflag:s9] =	ssyncset.done $0x0  }
0x3c: {  	[sflag:s9] =	ssyncadd.s32 $0xFFFFFF60  }
0x3d: {  	_ =	swait.ge [sflag:s9], $0xA0  }
0x3e: {  	[sflag:s9] =	ssyncset.done $0x0  }
0x3f: {  	[sflag:s9] =	ssyncadd.s32 $0xFFFFFF60  }
0x40: {  	_ =	swait.ge [sflag:s9], $0xA0  }
0x41: {  	[sflag:s9] =	ssyncset.done $0x0  }
0x42: {  	[sflag:s9] =	ssyncadd.s32 $0xFFFFFF60  }
0x43: {  	_ =	swait.ge [sflag:s9], $0xA0  }
0x44: {  	[sflag:s9] =	ssyncset.done $0x0  }
0x45: {  	[sflag:s9] =	ssyncadd.s32 $0xFFFFFF60  }
0x46: {  	_ =	swait.ge [sflag:s9], $0xA0  }
0x47: {  	[sflag:s9] =	ssyncset.done $0x0  }
0x48: {  	[sflag:s9] =	ssyncadd.s32 $0xFFFFFF60  }
0x49: {  	_ =	swait.ge [sflag:s9], $0xA0  }
0x4a: {  	[sflag:s9] =	ssyncset.done $0x0  }
0x4b: {  	[sflag:s9] =	ssyncadd.s32 $0xFFFFFF60  }
0x4c: {  	_ =	swait.ge [sflag:s9], $0xA0  }
0x4d: {  	[sflag:s9] =	ssyncset.done $0x0  }
0x4e: {  	[sflag:s9] =	ssyncadd.s32 $0xFFFFFF60  }
0x4f: {  	_ =	swait.ge [sflag:s9], $0xA0  }
0x50: {  	[sflag:s9] =	ssyncset.done $0x0  }
0x51: {  	[sflag:s9] =	ssyncadd.s32 $0xFFFFFF60  }
0x52: {  	_ =	swait.ge [sflag:s9], $0xA0  }
0x53: {  	[sflag:s9] =	ssyncset.done $0x0  }
0x54: {  	[sflag:s9] =	ssyncadd.s32 $0xFFFFFF60  }
0x55: {  	_ =	swait.ge [sflag:s9], $0xA0  }
0x56: {  	[sflag:s9] =	ssyncset.done $0x0  }
0x57: {  	[sflag:s9] =	ssyncadd.s32 $0xFFFFFF60  }
0x58: {  	_ =	swait.ge [sflag:s9], $0xA0  }
0x59: {  	[sflag:s9] =	ssyncset.done $0x0  }
0x5a: {  	[sflag:s9] =	ssyncadd.s32 $0xFFFFFF60  }
0x5b: {  	_ =	swait.ge [sflag:s9], $0xA0  }
0x5c: {  	[sflag:s9] =	ssyncset.done $0x0  }
0x5d: {  	[sflag:s9] =	ssyncadd.s32 $0xFFFFFF60  }
0x5e: {  	_ =	swait.ge [sflag:s9], $0xA0  }
0x5f: {  	[sflag:s9] =	ssyncset.done $0x0  }
0x60: {  	[sflag:s9] =	ssyncadd.s32 $0xFFFFFF60  }
0x61: {  	_ =	swait.ge [sflag:s9], $0xA0  }
0x62: {  	[sflag:s9] =	ssyncset.done $0x0  }
0x63: {  	[sflag:s9] =	ssyncadd.s32 $0xFFFFFF60  }
0x64: {  	_ =	swait.ge [sflag:s9], $0xA0  }
0x65: {  	[sflag:s9] =	ssyncset.done $0x0  }
0x66: {  	[sflag:s9] =	ssyncadd.s32 $0xFFFFFF60  }
0x67: {  	_ =	swait.ge [sflag:s9], $0xA0  }
0x68: {  	[sflag:s9] =	ssyncset.done $0x0  }
0x69: {  	[sflag:s9] =	ssyncadd.s32 $0xFFFFFF60  }
0x6a: {  	_ =	swait.ge [sflag:s9], $0xA0  }
0x6b: {  	[sflag:s9] =	ssyncset.done $0x0  }
0x6c: {  	s15 =	simm.s32 $0x0;
	[sflag:s9] =	ssyncadd.s32 $0xFFFFFF60  }
0x6d: {  	s16 =	simm.s32 $0x800;
	s17 =	simm.s32 $0x0;
	v3 =	vld [tilespmem:s15+$0x0]  }
.LBB2_6:
0x6e: {  	p0 =	sne.s32 s16, $0x4800;
	_ =	sdelay $0x3  }
0x6f: {  	v3 =	vadd.s32 s15, v3;
	s15 =	smov.u32 s16  }
0x70: {  	v3 =	vadd.s32 v1, v3;
	_ =	sdelay $0x1  }
.Ltmp4:
0x71: {  	(pc) =	sbr.rel @p0 .LBB2_6-.Ltmp4, $3  }
0x72: {  	_ =	sdelay $0x1  }
0x73: {  	s17 =	sadd.s32 $0x10, s17;
	[tilespmem:v3+s10+$0x0] =	vst.idx.msk $0xffff, v2  }
0x74: {  	s16 =	sadd.s32 $0x800, s16;
	v3 =	vld [tilespmem:s17+$0x0]  }
0x75: {  	_ =	sdelay $0x3  }
0x76: {  	v3 =	vadd.s32 s15, v3  }
0x77: {  	v3 =	vadd.s32 v1, v3;
	_ =	sdelay $0x4  }
0x78: {  	s16 =	simm.s32 $0x0;
	s17 =	simm.s32 $0x200;
	s15 =	simm.s32 $0x0;
	[tilespmem:v3+s10+$0x0] =	vst.idx.msk $0xffff, v2  }
0x79: {  	[hbm4b:s6+s15] =	stream.linear.scatter [tilespmem:s10], [sflag:$0x2], $0x5000, $0x38;
	[tilespmem:$0xAC80] =	vst v63  }
.LBB2_8:
0x7a: {  	p0 =	sne.s32 s17, $0x13E00;
	[tilespmem:s16+$0x5CF0] =	vst v0  }
0x7b: {  	[tilespmem:s16+$0x5C80] =	vst v0  }
0x7c: {  	[tilespmem:s16+$0x5C90] =	vst v0  }
.Ltmp5:
0x7d: {  	[tilespmem:s16+$0x5CA0] =	vst v0;
	(pc) =	sbr.rel @p0 .LBB2_8-.Ltmp5, $4  }
0x7e: {  	[tilespmem:s16+$0x5CB0] =	vst v0  }
0x7f: {  	[tilespmem:s16+$0x5CC0] =	vst v0  }
0x80: {  	[tilespmem:s16+$0x5CD0] =	vst v0  }
0x81: {  	[tilespmem:s16+$0x5CE0] =	vst v0;
	s16 =	sshra.s32 s17, $0x2;
	s17 =	sadd.s32 $0x200, s17  }
0x82: {  	[tilespmem:s16+$0x5CF0] =	vst v0  }
0x83: {  	[tilespmem:s16+$0x5C80] =	vst v0  }
0x84: {  	[tilespmem:s16+$0x5C90] =	vst v0  }
0x85: {  	[tilespmem:s16+$0x5CA0] =	vst v0  }
0x86: {  	[tilespmem:s16+$0x5CB0] =	vst v0  }
0x87: {  	[tilespmem:s16+$0x5CC0] =	vst v0  }
0x88: {  	[tilespmem:s16+$0x5CD0] =	vst v0  }
0x89: {  	[tilespmem:s16+$0x5CE0] =	vst v0;
	s16 =	simm.s32 $0xA0  }
0x8a: {  	s17 =	simm.s32 $0x800;
	v3 =	vld [tilespmem:s16+$0x0]  }
.LBB2_10:
0x8b: {  	p0 =	sne.s32 s17, $0x4800;
	_ =	sdelay $0x3  }
0x8c: {  	v3 =	vadd.s32 s15, v3;
	s15 =	smov.u32 s17  }
0x8d: {  	v3 =	vadd.s32 v1, v3;
	_ =	sdelay $0x1  }
.Ltmp6:
0x8e: {  	(pc) =	sbr.rel @p0 .LBB2_10-.Ltmp6, $3  }
0x8f: {  	_ =	sdelay $0x1  }
0x90: {  	s16 =	sadd.s32 $0x10, s16;
	[tilespmem:v3+s11+$0x0] =	vst.idx.msk $0xffff, v2  }
0x91: {  	s17 =	sadd.s32 $0x800, s17;
	v3 =	vld [tilespmem:s16+$0x0]  }
0x92: {  	_ =	sdelay $0x3  }
0x93: {  	v3 =	vadd.s32 s15, v3  }
0x94: {  	v3 =	vadd.s32 v1, v3;
	_ =	sdelay $0x1  }
.Ltmp7:
0x95: {  	_ = 	snop;
	(pc) =	sbr.rel .LBB2_12-.Ltmp7, $4  }
0x96: {  	_ = 	snop  }
0x97: {  	s16 =	simm.s32 $0x1;
	s17 =	simm.s32 $0x140  }
0x98: {  	s18 =	simm.s32 $0xA0;
	s19 =	simm.s32 $0x1E0;
	s15 =	simm.s32 $0x0;
	[tilespmem:v3+s11+$0x0] =	vst.idx.msk $0xffff, v2  }
0x99: {  	[hbm4b:s7+s15] =	stream.linear.scatter [tilespmem:s11], [sflag:$0x3], $0x5000, $0x38;
	[tilespmem:$0xAC80] =	vst v63  }
.LBB2_22:
0x9a: {  	s16 =	sadd.s32 $0x1, s16  }
0x9b: {  	p0 =	sne.s32 s16, $0xA  }
.Ltmp8:
0x9c: {  	_ = 	snop;
	(pc) =	sbr.rel @!p0 .LBB2_23-.Ltmp8, $3  }
0x9d: {  	_ =	sdelay $0x1  }
0x9e: {  	s15 =	sadd.s32 $0x140, s15  }
0x9f: {  	s17 =	sadd.s32 $0x140, s17;
	s18 =	sadd.s32 $0x140, s18;
	s19 =	sadd.s32 $0x140, s19  }
.LBB2_12:
0xa0: {  	_ =	swait.ge [sflag:s12], $0x5000;
	s20 =	sshll.u32 s16, $0x1  }
0xa1: {  	s21 =	sshll.u32 s16, $0x6;
	s22 =	smov.u32 s15;
	[sflag:s12] =	ssyncset.done $0x0  }
0xa2: {  	s23 =	simm.s32 $0x0;
	s21 =	sor.u32 s4, s21;
	[sflag:s12] =	ssyncadd.s32 $0xFFFFB000  }
.LBB2_13:
0xa3: {  	v3 =	vld [tilespmem:s22+$0x0];
	_ =	sdelay $0x4  }
0xa4: {  	v3 =	vadd.s32 s23, v3  }
0xa5: {  	p0 =	sne.s32 s23, $0x4800;
	v3 =	vadd.s32 v1, v3  }
.Ltmp9:
0xa6: {  	_ = 	snop;
	(pc) =	sbr.rel @p0 .LBB2_13-.Ltmp9, $2  }
0xa7: {  	_ =	sdelay $0x2  }
0xa8: {  	s22 =	sadd.s32 $0x10, s22;
	s23 =	sadd.s32 $0x800, s23;
	[tilespmem:v3+s10+$0x0] =	vst.idx.msk $0xffff, v0  }
0xa9: {  	s22 =	simm.s32 $0x0;
	v3 =	vld [tilespmem:s17+$0x0];
	s23 =	simm.s32 $0x800;
	s24 =	smov.u32 s17  }
.LBB2_15:
0xaa: {  	p0 =	sne.s32 s23, $0x4800;
	_ =	sdelay $0x3  }
0xab: {  	v3 =	vadd.s32 s22, v3;
	s22 =	smov.u32 s23  }
0xac: {  	v3 =	vadd.s32 v1, v3;
	_ =	sdelay $0x1  }
.Ltmp10:
0xad: {  	(pc) =	sbr.rel @p0 .LBB2_15-.Ltmp10, $3  }
0xae: {  	_ =	sdelay $0x1  }
0xaf: {  	s24 =	sadd.s32 $0x10, s24;
	[tilespmem:v3+s10+$0x0] =	vst.idx.msk $0xffff, v2  }
0xb0: {  	s23 =	sadd.s32 $0x800, s23;
	v3 =	vld [tilespmem:s24+$0x0]  }
0xb1: {  	_ =	sdelay $0x2  }
0xb2: {  	s20 =	sshll.u32 s20, $0x5  }
0xb3: {  	s20 =	sor.u32 s4, s20;
	v3 =	vadd.s32 s22, v3  }
0xb4: {  	s20 =	sor.u32 $0x20, s20;
	v3 =	vadd.s32 v1, v3  }
0xb5: {  	p0 =	sgt.u32 s20, $0x270  }
.Ltmp11:
0xb6: {  	_ = 	snop;
	(pc) =	sbr.rel @p0 .LBB2_22-.Ltmp11, $3  }
0xb7: {  	s21 =	smul.u32 $0xA00, s21;
	_ =	sdelay $0x1  }
0xb8: {  	s21 =	sadd.s32 s3, s21;
	[tilespmem:v3+s10+$0x0] =	vst.idx.msk $0xffff, v2  }
0xb9: {  	[hbm4b:s21+s5] =	stream.linear.scatter [tilespmem:s10], [sflag:$0x2], $0x5000, $0x38;
	[tilespmem:$0xAC80] =	vst v63  }
0xba: {  	_ =	swait.ge [sflag:s13], $0x5000  }
0xbb: {  	[sflag:s13] =	ssyncset.done $0x0  }
0xbc: {  	s21 =	simm.s32 $0x0;
	[sflag:s13] =	ssyncadd.s32 $0xFFFFB000  }
0xbd: {  	s22 =	simm.s32 $0x800;
	s23 =	simm.s32 $0x0;
	s24 =	smov.u32 s18;
	v3 =	vld [tilespmem:s18+$0x0]  }
.LBB2_18:
0xbe: {  	p0 =	sne.s32 s22, $0x4800;
	_ =	sdelay $0x3  }
0xbf: {  	v3 =	vadd.s32 s23, v3;
	s23 =	smov.u32 s22  }
0xc0: {  	v3 =	vadd.s32 v1, v3;
	_ =	sdelay $0x1  }
.Ltmp12:
0xc1: {  	(pc) =	sbr.rel @p0 .LBB2_18-.Ltmp12, $3  }
0xc2: {  	_ =	sdelay $0x1  }
0xc3: {  	s24 =	sadd.s32 $0x10, s24;
	[tilespmem:v3+s11+$0x0] =	vst.idx.msk $0xffff, v0  }
0xc4: {  	s22 =	sadd.s32 $0x800, s22;
	v3 =	vld [tilespmem:s24+$0x0]  }
0xc5: {  	_ =	sdelay $0x3  }
0xc6: {  	v3 =	vadd.s32 s23, v3  }
0xc7: {  	v3 =	vadd.s32 v1, v3;
	_ =	sdelay $0x4  }
0xc8: {  	[tilespmem:v3+s11+$0x0] =	vst.idx.msk $0xffff, v0  }
0xc9: {  	s22 =	simm.s32 $0x800;
	s23 =	smov.u32 s19;
	v3 =	vld [tilespmem:s19+$0x0]  }
.LBB2_20:
0xca: {  	p0 =	sne.s32 s22, $0x4800;
	_ =	sdelay $0x3  }
0xcb: {  	v3 =	vadd.s32 s21, v3;
	s21 =	smov.u32 s22  }
0xcc: {  	v3 =	vadd.s32 v1, v3;
	_ =	sdelay $0x1  }
.Ltmp13:
0xcd: {  	(pc) =	sbr.rel @p0 .LBB2_20-.Ltmp13, $3  }
0xce: {  	_ =	sdelay $0x1  }
0xcf: {  	s23 =	sadd.s32 $0x10, s23;
	[tilespmem:v3+s11+$0x0] =	vst.idx.msk $0xffff, v2  }
0xd0: {  	s22 =	sadd.s32 $0x800, s22;
	v3 =	vld [tilespmem:s23+$0x0]  }
0xd1: {  	_ =	sdelay $0x3  }
0xd2: {  	v3 =	vadd.s32 s21, v3  }
0xd3: {  	v3 =	vadd.s32 v1, v3;
	_ =	sdelay $0x1  }
.Ltmp14:
0xd4: {  	_ = 	snop;
	(pc) =	sbr.rel .LBB2_22-.Ltmp14, $3  }
0xd5: {  	s20 =	smul.u32 $0xA00, s20;
	_ =	sdelay $0x1  }
0xd6: {  	s20 =	sadd.s32 s3, s20;
	[tilespmem:v3+s11+$0x0] =	vst.idx.msk $0xffff, v2  }
0xd7: {  	[hbm4b:s20+s5] =	stream.linear.scatter [tilespmem:s11], [sflag:$0x3], $0x5000, $0x38;
	[tilespmem:$0xAC80] =	vst v63  }
.LBB2_24:
0xd8: {  	_ =	sfence.sel $0x180000  }
0xd9: {  	[bflag:$0x0] =	sbarrier.arrive $0xFFFF  }
0xda: {  	p0 =	sne.s32 s0, $0x0;
	_ =	strace $0x90000047  }
0xdb: {  	s0 =	sadd.s32 @!p0 $0x100000, s1;
	[bflag:$0x2] =	sbarrier.arrive $0xFFFF  }
0xdc: {  	[sflag:s0] =	ssyncadd.tile.s32 @!p0 $0x1;
	_ =	shalt  }
.Lfunc_end2:
_tile_overlayer_lowered:
.L_overlay_start_2:
0xdd: {  	(tag) =	ssettag $0x2  }
0xde: {  	s0 =	rddreg [dreg:$0x0];
	s2 =	stileid.u32  }
0xdf: {  	s1 =	rddreg [dreg:$0x1];
	p0 =	sne.s32 s2, $0x0  }
0xe0: {  	s3 =	rddreg [dreg:$0x2];
	[bflag:$0x3] =	sbarrier.arrive $0xFFFF;
	s2 =	simm.s32 @!p0 $0x1C04  }
0xe1: {  	[timem:s3], [sflag:s2] =	dma.local @!p0 [hbm:s0], s1  }
0xe2: {  	s0 =	simm.s32 @!p0 $0x4  }
0xe3: {  	_ =	swait.ge @!p0 [sflag:s0], s1  }
0xe4: {  	s1 =	ssub.s32 @!p0 $0x0, s1;
	[sflag:s0] =	ssyncset.done @!p0 $0x0  }
0xe5: {  	[sflag:s0] =	ssyncadd.s32 @!p0 s1  }
0xe6: {  	[bflag:$0x3] =	sbarrier.arrive $0xFFFF  }
0xe7: {  	_ =	shalt  }

</sc_bundles>
